<compile_context>
chip_gen: v7x
topology: tpu7x:2x2x1
jax: 0.10.2.dev20260603
libtpu: 0.0.44.dev20260713+nightly
codegen_flags: <defaults>
</compile_context>

<pallas_src>
import functools

import numpy as np
import jax
import jax.numpy as jnp
from jax import lax
from jax.experimental import pallas as pl
from jax.experimental.pallas import tpu as pltpu
from jax.experimental.pallas import tpu_sc as plsc

D = 64
S = 200
B = 4096
NC, NS, L = 2, 16, 16
NW = NC * NS
SEQ_PER_W = B // NW
C = 2
CHUNK_ROWS = C * S
N_CHUNK = SEQ_PER_W // C


def _pe_table():
    position = np.arange(S, dtype=np.float32)[:, None]
    div_term = np.exp(
        np.arange(0, D, 2, dtype=np.float32) * (-np.log(10000.0) / D)
    )
    pe = np.zeros((S, D), np.float32)
    pe[:, 0::2] = np.sin(position * div_term)
    pe[:, 1::2] = np.cos(position * div_term)
    return jnp.asarray(pe)


_mesh = plsc.VectorSubcoreMesh(core_axis_name="c", subcore_axis_name="s")


@functools.partial(
    pl.kernel,
    out_type=jax.ShapeDtypeStruct((B * S, D), jnp.float32),
    mesh=_mesh,
    compiler_params=pltpu.CompilerParams(use_tc_tiling_on_sc=False),
    cost_estimate=pl.CostEstimate(
        flops=B * S * D, bytes_accessed=440_000_000, transcendentals=0
    ),
    scratch_types=[
        pltpu.VMEM((N_CHUNK * CHUNK_ROWS,), jnp.int32),
        pltpu.VMEM((CHUNK_ROWS, D), jnp.float32),
        pltpu.VMEM((CHUNK_ROWS, D), jnp.float32),
        pltpu.VMEM((S, D), jnp.float32),
        pltpu.SemaphoreType.DMA,
        pltpu.SemaphoreType.DMA,
        pltpu.SemaphoreType.DMA,
        pltpu.SemaphoreType.DMA,
    ],
)
def _emb_kernel(
    x_hbm, table_hbm, pe_hbm, out_hbm,
    idx_v, rbuf0, rbuf1, pe_v,
    rsem0, rsem1, wsem0, wsem1,
):
    wid = lax.axis_index("s") * NC + lax.axis_index("c")
    base_row = wid * SEQ_PER_W * S
    pltpu.sync_copy(pe_hbm, pe_v)
    pltpu.sync_copy(x_hbm.at[pl.ds(base_row, SEQ_PER_W * S)], idx_v)

    def add_pe(rbuf):
        def add_body(r, carry):
            for j in range(D // L):
                pe_j = pe_v[r, pl.ds(j * L, L)]
                for c in range(C):
                    rr = c * S + r
                    rbuf[rr, pl.ds(j * L, L)] = rbuf[rr, pl.ds(j * L, L)] + pe_j
            return carry

        lax.fori_loop(0, S, add_body, 0)

    def gather(k, rbuf, rsem):
        pltpu.async_copy(
            table_hbm.at[idx_v.at[pl.ds(k * CHUNK_ROWS, CHUNK_ROWS)]], rbuf, rsem
        )

    def wr(k, rbuf, wsem):
        pltpu.async_copy(
            rbuf, out_hbm.at[pl.ds(base_row + k * CHUNK_ROWS, CHUNK_ROWS)], wsem
        )

    def wr_wait(k, rbuf, wsem):
        pltpu.make_async_copy(
            rbuf, out_hbm.at[pl.ds(base_row + k * CHUNK_ROWS, CHUNK_ROWS)], wsem
        ).wait()

    gather(0, rbuf0, rsem0)

    def body2(g2, carry):
        k0 = 2 * g2
        k1 = k0 + 1
        pltpu.make_async_copy(
            table_hbm.at[idx_v.at[pl.ds(k0 * CHUNK_ROWS, CHUNK_ROWS)]], rbuf0, rsem0
        ).wait()

        @pl.when(g2 > 0)
        def _():
            wr_wait(k0 - 1, rbuf1, wsem1)

        gather(k1, rbuf1, rsem1)
        add_pe(rbuf0)
        wr(k0, rbuf0, wsem0)

        pltpu.make_async_copy(
            table_hbm.at[idx_v.at[pl.ds(k1 * CHUNK_ROWS, CHUNK_ROWS)]], rbuf1, rsem1
        ).wait()
        wr_wait(k0, rbuf0, wsem0)

        @pl.when(g2 < N_CHUNK // 2 - 1)
        def _():
            gather(k1 + 1, rbuf0, rsem0)

        add_pe(rbuf1)
        wr(k1, rbuf1, wsem1)
        return carry

    lax.fori_loop(0, N_CHUNK // 2, body2, 0)
    wr_wait(N_CHUNK - 1, rbuf1, wsem1)


def kernel(x, table):
    pe = _pe_table()
    out = _emb_kernel(x.reshape(-1), table, pe)
    return out.reshape(B, S, D)

# --- scband reference (transcript-rebuilt; emitter-appended) ---
"""Pipeline reference for scband-positional-encoding-embeddings-30580167148122 (READ-ONLY COPY).

The authoritative reference and input builder live on the scoring server;
editing this copy changes nothing except your own understanding.
"""

import jax, jax.numpy as jnp
import numpy as np

D_MODEL = 64
VOCAB_SIZE = 1000000
MAX_LEN = 5000

def make_pe(max_len, d_model):
    position = jnp.arange(max_len, dtype=jnp.float32)[:, None]
    div_term = jnp.exp(jnp.arange(0, d_model, 2, dtype=jnp.float32) * (-np.log(10000.0) / d_model))
    pe = jnp.zeros((1, max_len, d_model), dtype=jnp.float32)
    pe = pe.at[0, :, 0::2].set(jnp.sin(position * div_term))
    pe = pe.at[0, :, 1::2].set(jnp.cos(position * div_term))
    return pe

def setup_inputs(seed: int = 0) -> dict:
    key = jax.random.key(seed)
    k1, k2 = jax.random.split(key)
    x = jax.random.randint(k1, (4096, 200), 0, VOCAB_SIZE, dtype=jnp.int32)
    # nn.Embedding default init: N(0, 1); table has vocab_size + 1 rows
    table = jax.random.normal(k2, (VOCAB_SIZE + 1, D_MODEL), dtype=jnp.float32)
    return {"x": x, "table": table}

def reference(x, table):
    # embedding lookup
    embedding = jnp.take(table, x, axis=0)  # [B, S, d_model]
    # positional encoding buffer, sliced to seq length
    pe = make_pe(MAX_LEN, D_MODEL)[:, :x.shape[1]]  # [1, S, d_model]
    out = embedding + pe
    # dropout is identity in eval mode
    return out

if __name__ == "__main__":
    import jax
    _d = setup_inputs()
    print(jax.jit(kernel)(*tuple(_d.values())))

</pallas_src>

<mosaic_0001>
#map = affine_map<(d0, d1) -> (0)>
#map1 = affine_map<(d0, d1) -> (0, 0)>
module attributes {stable_mosaic.version = 14 : i64} {
  func.func @_emb_kernel(%arg0: i32, %arg1: i32, %arg2: memref<819200xi32, #tpu.memory_space<hbm>>, %arg3: memref<1000001x64xf32, #tpu.memory_space<hbm>>, %arg4: memref<200x64xf32, #tpu.memory_space<hbm>>, %arg5: memref<819200x64xf32, #tpu.memory_space<hbm>>, %arg6: memref<25600xi32, #tpu.memory_space<vmem>>, %arg7: memref<400x64xf32, #tpu.memory_space<vmem>>, %arg8: memref<400x64xf32, #tpu.memory_space<vmem>>, %arg9: memref<200x64xf32, #tpu.memory_space<vmem>>, %arg10: memref<!tpu.dma_semaphore, #tpu.memory_space<semaphore_mem>>, %arg11: memref<!tpu.dma_semaphore, #tpu.memory_space<semaphore_mem>>, %arg12: memref<!tpu.dma_semaphore, #tpu.memory_space<semaphore_mem>>, %arg13: memref<!tpu.dma_semaphore, #tpu.memory_space<semaphore_mem>>) attributes {dimension_semantics = [#tpu.dimension_semantics<core_parallel>, #tpu.dimension_semantics<subcore_parallel>], iteration_bounds = array<i64: 2, 16>, scalar_prefetch = 0 : i64, scratch_operands = 8 : i64, tpu.core_type = #tpu.core_type<sc_vector_subcore>, window_params = [{transform_indices = #map}, {transform_indices = #map1}, {transform_indices = #map1}, {transform_indices = #map1}]} {
    %mul3A = arith.constant 2 : i32
    %mul3A_0 = arith.muli %arg1, %mul3A : i32
    %add3A = arith.addi %mul3A_0, %arg0 : i32
    %mul3A_1 = arith.constant 128 : i32
    %mul3A_2 = arith.muli %add3A, %mul3A_1 : i32
    %mul3A_3 = arith.constant 200 : i32
    %mul3A_4 = arith.muli %mul3A_2, %mul3A_3 : i32
    "tpu.region"() ({
      %run_scoped3A = tpu.sem_alloc : memref<!tpu.dma_semaphore, #tpu.memory_space<semaphore_mem>>
      tpu.enqueue_dma source(%arg4 : memref<200x64xf32, #tpu.memory_space<hbm>>) target(%arg9 : memref<200x64xf32, #tpu.memory_space<vmem>>) target_semaphore(%run_scoped3A : memref<!tpu.dma_semaphore, #tpu.memory_space<semaphore_mem>>)
      tpu.wait_dma2 semaphore(%run_scoped3A : memref<!tpu.dma_semaphore, #tpu.memory_space<semaphore_mem>>) src(%arg4 : memref<200x64xf32, #tpu.memory_space<hbm>>) dst(%arg9 : memref<200x64xf32, #tpu.memory_space<vmem>>)
      tpu.yield
    }) : () -> ()
    "tpu.region"() ({
      %run_scoped3A = tpu.sem_alloc : memref<!tpu.dma_semaphore, #tpu.memory_space<semaphore_mem>>
      %dma_start3A_19 = tpu.memref_slice %arg2[%mul3A_4] : memref<819200xi32, #tpu.memory_space<hbm>> -> memref<25600xi32, #tpu.memory_space<hbm>>
      %dma_start3A_20 = tpu.memref_slice %arg2[%mul3A_4] : memref<819200xi32, #tpu.memory_space<hbm>> -> memref<25600xi32, #tpu.memory_space<hbm>>
      tpu.enqueue_dma source(%dma_start3A_20 : memref<25600xi32, #tpu.memory_space<hbm>>) target(%arg6 : memref<25600xi32, #tpu.memory_space<vmem>>) target_semaphore(%run_scoped3A : memref<!tpu.dma_semaphore, #tpu.memory_space<semaphore_mem>>)
      %dma_wait3A_21 = tpu.memref_slice %arg2[%mul3A_4] : memref<819200xi32, #tpu.memory_space<hbm>> -> memref<25600xi32, #tpu.memory_space<hbm>>
      %dma_wait3A_22 = tpu.memref_slice %arg2[%mul3A_4] : memref<819200xi32, #tpu.memory_space<hbm>> -> memref<25600xi32, #tpu.memory_space<hbm>>
      tpu.wait_dma2 semaphore(%run_scoped3A : memref<!tpu.dma_semaphore, #tpu.memory_space<semaphore_mem>>) src(%dma_wait3A_22 : memref<25600xi32, #tpu.memory_space<hbm>>) dst(%arg6 : memref<25600xi32, #tpu.memory_space<vmem>>)
      tpu.yield
    }) : () -> ()
    %dma_start3A = arith.constant 0 : i32
    %dma_start3A_5 = tpu.memref_slice %arg6[%dma_start3A] : memref<25600xi32, #tpu.memory_space<vmem>> -> memref<400xi32, #tpu.memory_space<vmem>>
    %dma_start3A_6 = arith.constant 0 : i32
    %dma_start3A_7 = arith.constant 0 : i32
    %dma_start3A_8 = tpu.memref_slice %arg3[%dma_start3A_6, %dma_start3A_7] : memref<1000001x64xf32, #tpu.memory_space<hbm>> -> memref<1000001x64xf32, #tpu.memory_space<hbm>>
    tpu.enqueue_indirect_dma source(%dma_start3A_8 : memref<1000001x64xf32, #tpu.memory_space<hbm>>) target(%arg7 : memref<400x64xf32, #tpu.memory_space<vmem>>) offsets(%dma_start3A_5 : memref<400xi32, #tpu.memory_space<vmem>>) semaphore(%arg10 : memref<!tpu.dma_semaphore, #tpu.memory_space<semaphore_mem>>)
    %scan3A = arith.constant 0 : i32
    %scan3A_9 = arith.constant 0 : i32
    %scan3A_10 = arith.constant 32 : i32
    %scan3A_11 = arith.addi %scan3A_9, %scan3A_10 : i32
    %scan3A_12 = arith.constant 1 : i32
    scf.for %scan3A_19 = %scan3A_9 to %scan3A_11 step %scan3A_12  : i32 {
      %mul3A_20 = arith.constant 2 : i32
      %mul3A_21 = arith.muli %mul3A_20, %scan3A_19 : i32
      %add3A_22 = arith.constant 1 : i32
      %add3A_23 = arith.addi %mul3A_21, %add3A_22 : i32
      %mul3A_24 = arith.constant 400 : i32
      %mul3A_25 = arith.muli %mul3A_21, %mul3A_24 : i32
      %dma_wait3A_26 = tpu.memref_slice %arg6[%mul3A_25] : memref<25600xi32, #tpu.memory_space<vmem>> -> memref<400xi32, #tpu.memory_space<vmem>>
      %dma_wait3A_27 = arith.constant 0 : i32
      %dma_wait3A_28 = arith.constant 0 : i32
      %dma_wait3A_29 = tpu.memref_slice %arg3[%dma_wait3A_27, %dma_wait3A_28] : memref<1000001x64xf32, #tpu.memory_space<hbm>> -> memref<1000001x64xf32, #tpu.memory_space<hbm>>
      tpu.wait_indirect_dma semaphore(%arg10 : memref<!tpu.dma_semaphore, #tpu.memory_space<semaphore_mem>>) src(%dma_wait3A_29 : memref<1000001x64xf32, #tpu.memory_space<hbm>>) dst(%arg7 : memref<400x64xf32, #tpu.memory_space<vmem>>)
      %gt3A = arith.constant 0 : i32
      %gt3A_30 = arith.cmpi sgt, %scan3A_19, %gt3A : i32
      %convert_element_type3A = arith.extui %gt3A_30 : i1 to i32
      %cond3A = arith.constant 0 : i32
      %cond3A_31 = arith.cmpi ne, %convert_element_type3A, %cond3A : i32
      scf.if %cond3A_31 {
        %sub3A = arith.constant 1 : i32
        %sub3A_81 = arith.subi %mul3A_21, %sub3A : i32
        %mul3A_82 = arith.constant 400 : i32
        %mul3A_83 = arith.muli %sub3A_81, %mul3A_82 : i32
        %add3A_84 = arith.addi %mul3A_4, %mul3A_83 : i32
        %dma_wait3A_85 = arith.constant 0 : i32
        %dma_wait3A_86 = tpu.memref_slice %arg5[%add3A_84, %dma_wait3A_85] : memref<819200x64xf32, #tpu.memory_space<hbm>> -> memref<400x64xf32, #tpu.memory_space<hbm>>
        %dma_wait3A_87 = arith.constant 0 : i32
        %dma_wait3A_88 = tpu.memref_slice %arg5[%add3A_84, %dma_wait3A_87] : memref<819200x64xf32, #tpu.memory_space<hbm>> -> memref<400x64xf32, #tpu.memory_space<hbm>>
        tpu.wait_dma2 semaphore(%arg13 : memref<!tpu.dma_semaphore, #tpu.memory_space<semaphore_mem>>) src(%arg8 : memref<400x64xf32, #tpu.memory_space<vmem>>) dst(%dma_wait3A_88 : memref<400x64xf32, #tpu.memory_space<hbm>>)
      } else {
      }
      %mul3A_32 = arith.constant 400 : i32
      %mul3A_33 = arith.muli %add3A_23, %mul3A_32 : i32
      %dma_start3A_34 = tpu.memref_slice %arg6[%mul3A_33] : memref<25600xi32, #tpu.memory_space<vmem>> -> memref<400xi32, #tpu.memory_space<vmem>>
      %dma_start3A_35 = arith.constant 0 : i32
      %dma_start3A_36 = arith.constant 0 : i32
      %dma_start3A_37 = tpu.memref_slice %arg3[%dma_start3A_35, %dma_start3A_36] : memref<1000001x64xf32, #tpu.memory_space<hbm>> -> memref<1000001x64xf32, #tpu.memory_space<hbm>>
      tpu.enqueue_indirect_dma source(%dma_start3A_37 : memref<1000001x64xf32, #tpu.memory_space<hbm>>) target(%arg8 : memref<400x64xf32, #tpu.memory_space<vmem>>) offsets(%dma_start3A_34 : memref<400xi32, #tpu.memory_space<vmem>>) semaphore(%arg11 : memref<!tpu.dma_semaphore, #tpu.memory_space<semaphore_mem>>)
      %scan3A_38 = arith.constant 0 : i32
      %scan3A_39 = arith.constant 0 : i32
      %scan3A_40 = arith.constant 200 : i32
      %scan3A_41 = arith.addi %scan3A_39, %scan3A_40 : i32
      %scan3A_42 = arith.constant 1 : i32
      scf.for %scan3A_81 = %scan3A_39 to %scan3A_41 step %scan3A_42  : i32 {
        %get3A = arith.index_cast %scan3A_81 : i32 to index
        %get3A_82 = arith.constant 0 : index
        %get3A_83 = tpu.vector_load %arg9[%get3A, %get3A_82] {strides = array<i32>} : memref<200x64xf32, #tpu.memory_space<vmem>>, vector<1x16xf32>,
        %get3A_84 = vector.shape_cast %get3A_83 : vector<1x16xf32> to vector<16xf32>
        %add3A_85 = arith.constant 0 : i32
        %add3A_86 = arith.addi %add3A_85, %scan3A_81 : i32
        %get3A_87 = arith.index_cast %add3A_86 : i32 to index
        %get3A_88 = arith.constant 0 : index
        %get3A_89 = tpu.vector_load %arg7[%get3A_87, %get3A_88] {strides = array<i32>} : memref<400x64xf32, #tpu.memory_space<vmem>>, vector<1x16xf32>,
        %get3A_90 = vector.shape_cast %get3A_89 : vector<1x16xf32> to vector<16xf32>
        %add3A_91 = arith.addf %get3A_90, %get3A_84 : vector<16xf32>
        %swap3A = arith.index_cast %add3A_86 : i32 to index
        %swap3A_92 = arith.constant 0 : index
        %swap3A_93 = tpu.vector_load %arg7[%swap3A, %swap3A_92] {strides = array<i32>} : memref<400x64xf32, #tpu.memory_space<vmem>>, vector<1x16xf32>,
        %swap3A_94 = vector.shape_cast %swap3A_93 : vector<1x16xf32> to vector<16xf32>
        %swap3A_95 = vector.shape_cast %add3A_91 : vector<16xf32> to vector<1x16xf32>
        tpu.vector_store %arg7[%swap3A, %swap3A_92], %swap3A_95 {strides = array<i32>} : memref<400x64xf32, #tpu.memory_space<vmem>>, vector<1x16xf32>,
        %add3A_96 = arith.constant 200 : i32
        %add3A_97 = arith.addi %add3A_96, %scan3A_81 : i32
        %get3A_98 = arith.index_cast %add3A_97 : i32 to index
        %get3A_99 = arith.constant 0 : index
        %get3A_100 = tpu.vector_load %arg7[%get3A_98, %get3A_99] {strides = array<i32>} : memref<400x64xf32, #tpu.memory_space<vmem>>, vector<1x16xf32>,
        %get3A_101 = vector.shape_cast %get3A_100 : vector<1x16xf32> to vector<16xf32>
        %add3A_102 = arith.addf %get3A_101, %get3A_84 : vector<16xf32>
        %swap3A_103 = arith.index_cast %add3A_97 : i32 to index
        %swap3A_104 = arith.constant 0 : index
        %swap3A_105 = tpu.vector_load %arg7[%swap3A_103, %swap3A_104] {strides = array<i32>} : memref<400x64xf32, #tpu.memory_space<vmem>>, vector<1x16xf32>,
        %swap3A_106 = vector.shape_cast %swap3A_105 : vector<1x16xf32> to vector<16xf32>
        %swap3A_107 = vector.shape_cast %add3A_102 : vector<16xf32> to vector<1x16xf32>
        tpu.vector_store %arg7[%swap3A_103, %swap3A_104], %swap3A_107 {strides = array<i32>} : memref<400x64xf32, #tpu.memory_space<vmem>>, vector<1x16xf32>,
        %get3A_108 = arith.index_cast %scan3A_81 : i32 to index
        %get3A_109 = arith.constant 16 : index
        %get3A_110 = tpu.vector_load %arg9[%get3A_108, %get3A_109] {strides = array<i32>} : memref<200x64xf32, #tpu.memory_space<vmem>>, vector<1x16xf32>,
        %get3A_111 = vector.shape_cast %get3A_110 : vector<1x16xf32> to vector<16xf32>
        %add3A_112 = arith.constant 0 : i32
        %add3A_113 = arith.addi %add3A_112, %scan3A_81 : i32
        %get3A_114 = arith.index_cast %add3A_113 : i32 to index
        %get3A_115 = arith.constant 16 : index
        %get3A_116 = tpu.vector_load %arg7[%get3A_114, %get3A_115] {strides = array<i32>} : memref<400x64xf32, #tpu.memory_space<vmem>>, vector<1x16xf32>,
        %get3A_117 = vector.shape_cast %get3A_116 : vector<1x16xf32> to vector<16xf32>
        %add3A_118 = arith.addf %get3A_117, %get3A_111 : vector<16xf32>
        %swap3A_119 = arith.index_cast %add3A_113 : i32 to index
        %swap3A_120 = arith.constant 16 : index
        %swap3A_121 = tpu.vector_load %arg7[%swap3A_119, %swap3A_120] {strides = array<i32>} : memref<400x64xf32, #tpu.memory_space<vmem>>, vector<1x16xf32>,
        %swap3A_122 = vector.shape_cast %swap3A_121 : vector<1x16xf32> to vector<16xf32>
        %swap3A_123 = vector.shape_cast %add3A_118 : vector<16xf32> to vector<1x16xf32>
        tpu.vector_store %arg7[%swap3A_119, %swap3A_120], %swap3A_123 {strides = array<i32>} : memref<400x64xf32, #tpu.memory_space<vmem>>, vector<1x16xf32>,
        %add3A_124 = arith.constant 200 : i32
        %add3A_125 = arith.addi %add3A_124, %scan3A_81 : i32
        %get3A_126 = arith.index_cast %add3A_125 : i32 to index
        %get3A_127 = arith.constant 16 : index
        %get3A_128 = tpu.vector_load %arg7[%get3A_126, %get3A_127] {strides = array<i32>} : memref<400x64xf32, #tpu.memory_space<vmem>>, vector<1x16xf32>,
        %get3A_129 = vector.shape_cast %get3A_128 : vector<1x16xf32> to vector<16xf32>
        %add3A_130 = arith.addf %get3A_129, %get3A_111 : vector<16xf32>
        %swap3A_131 = arith.index_cast %add3A_125 : i32 to index
        %swap3A_132 = arith.constant 16 : index
        %swap3A_133 = tpu.vector_load %arg7[%swap3A_131, %swap3A_132] {strides = array<i32>} : memref<400x64xf32, #tpu.memory_space<vmem>>, vector<1x16xf32>,
        %swap3A_134 = vector.shape_cast %swap3A_133 : vector<1x16xf32> to vector<16xf32>
        %swap3A_135 = vector.shape_cast %add3A_130 : vector<16xf32> to vector<1x16xf32>
        tpu.vector_store %arg7[%swap3A_131, %swap3A_132], %swap3A_135 {strides = array<i32>} : memref<400x64xf32, #tpu.memory_space<vmem>>, vector<1x16xf32>,
        %get3A_136 = arith.index_cast %scan3A_81 : i32 to index
        %get3A_137 = arith.constant 32 : index
        %get3A_138 = tpu.vector_load %arg9[%get3A_136, %get3A_137] {strides = array<i32>} : memref<200x64xf32, #tpu.memory_space<vmem>>, vector<1x16xf32>,
        %get3A_139 = vector.shape_cast %get3A_138 : vector<1x16xf32> to vector<16xf32>
        %add3A_140 = arith.constant 0 : i32
        %add3A_141 = arith.addi %add3A_140, %scan3A_81 : i32
        %get3A_142 = arith.index_cast %add3A_141 : i32 to index
        %get3A_143 = arith.constant 32 : index
        %get3A_144 = tpu.vector_load %arg7[%get3A_142, %get3A_143] {strides = array<i32>} : memref<400x64xf32, #tpu.memory_space<vmem>>, vector<1x16xf32>,
        %get3A_145 = vector.shape_cast %get3A_144 : vector<1x16xf32> to vector<16xf32>
        %add3A_146 = arith.addf %get3A_145, %get3A_139 : vector<16xf32>
        %swap3A_147 = arith.index_cast %add3A_141 : i32 to index
        %swap3A_148 = arith.constant 32 : index
        %swap3A_149 = tpu.vector_load %arg7[%swap3A_147, %swap3A_148] {strides = array<i32>} : memref<400x64xf32, #tpu.memory_space<vmem>>, vector<1x16xf32>,
        %swap3A_150 = vector.shape_cast %swap3A_149 : vector<1x16xf32> to vector<16xf32>
        %swap3A_151 = vector.shape_cast %add3A_146 : vector<16xf32> to vector<1x16xf32>
        tpu.vector_store %arg7[%swap3A_147, %swap3A_148], %swap3A_151 {strides = array<i32>} : memref<400x64xf32, #tpu.memory_space<vmem>>, vector<1x16xf32>,
        %add3A_152 = arith.constant 200 : i32
        %add3A_153 = arith.addi %add3A_152, %scan3A_81 : i32
        %get3A_154 = arith.index_cast %add3A_153 : i32 to index
        %get3A_155 = arith.constant 32 : index
        %get3A_156 = tpu.vector_load %arg7[%get3A_154, %get3A_155] {strides = array<i32>} : memref<400x64xf32, #tpu.memory_space<vmem>>, vector<1x16xf32>,
        %get3A_157 = vector.shape_cast %get3A_156 : vector<1x16xf32> to vector<16xf32>
        %add3A_158 = arith.addf %get3A_157, %get3A_139 : vector<16xf32>
        %swap3A_159 = arith.index_cast %add3A_153 : i32 to index
        %swap3A_160 = arith.constant 32 : index
        %swap3A_161 = tpu.vector_load %arg7[%swap3A_159, %swap3A_160] {strides = array<i32>} : memref<400x64xf32, #tpu.memory_space<vmem>>, vector<1x16xf32>,
        %swap3A_162 = vector.shape_cast %swap3A_161 : vector<1x16xf32> to vector<16xf32>
        %swap3A_163 = vector.shape_cast %add3A_158 : vector<16xf32> to vector<1x16xf32>
        tpu.vector_store %arg7[%swap3A_159, %swap3A_160], %swap3A_163 {strides = array<i32>} : memref<400x64xf32, #tpu.memory_space<vmem>>, vector<1x16xf32>,
        %get3A_164 = arith.index_cast %scan3A_81 : i32 to index
        %get3A_165 = arith.constant 48 : index
        %get3A_166 = tpu.vector_load %arg9[%get3A_164, %get3A_165] {strides = array<i32>} : memref<200x64xf32, #tpu.memory_space<vmem>>, vector<1x16xf32>,
        %get3A_167 = vector.shape_cast %get3A_166 : vector<1x16xf32> to vector<16xf32>
        %add3A_168 = arith.constant 0 : i32
        %add3A_169 = arith.addi %add3A_168, %scan3A_81 : i32
        %get3A_170 = arith.index_cast %add3A_169 : i32 to index
        %get3A_171 = arith.constant 48 : index
        %get3A_172 = tpu.vector_load %arg7[%get3A_170, %get3A_171] {strides = array<i32>} : memref<400x64xf32, #tpu.memory_space<vmem>>, vector<1x16xf32>,
        %get3A_173 = vector.shape_cast %get3A_172 : vector<1x16xf32> to vector<16xf32>
        %add3A_174 = arith.addf %get3A_173, %get3A_167 : vector<16xf32>
        %swap3A_175 = arith.index_cast %add3A_169 : i32 to index
        %swap3A_176 = arith.constant 48 : index
        %swap3A_177 = tpu.vector_load %arg7[%swap3A_175, %swap3A_176] {strides = array<i32>} : memref<400x64xf32, #tpu.memory_space<vmem>>, vector<1x16xf32>,
        %swap3A_178 = vector.shape_cast %swap3A_177 : vector<1x16xf32> to vector<16xf32>
        %swap3A_179 = vector.shape_cast %add3A_174 : vector<16xf32> to vector<1x16xf32>
        tpu.vector_store %arg7[%swap3A_175, %swap3A_176], %swap3A_179 {strides = array<i32>} : memref<400x64xf32, #tpu.memory_space<vmem>>, vector<1x16xf32>,
        %add3A_180 = arith.constant 200 : i32
        %add3A_181 = arith.addi %add3A_180, %scan3A_81 : i32
        %get3A_182 = arith.index_cast %add3A_181 : i32 to index
        %get3A_183 = arith.constant 48 : index
        %get3A_184 = tpu.vector_load %arg7[%get3A_182, %get3A_183] {strides = array<i32>} : memref<400x64xf32, #tpu.memory_space<vmem>>, vector<1x16xf32>,
        %get3A_185 = vector.shape_cast %get3A_184 : vector<1x16xf32> to vector<16xf32>
        %add3A_186 = arith.addf %get3A_185, %get3A_167 : vector<16xf32>
        %swap3A_187 = arith.index_cast %add3A_181 : i32 to index
        %swap3A_188 = arith.constant 48 : index
        %swap3A_189 = tpu.vector_load %arg7[%swap3A_187, %swap3A_188] {strides = array<i32>} : memref<400x64xf32, #tpu.memory_space<vmem>>, vector<1x16xf32>,
        %swap3A_190 = vector.shape_cast %swap3A_189 : vector<1x16xf32> to vector<16xf32>
        %swap3A_191 = vector.shape_cast %add3A_186 : vector<16xf32> to vector<1x16xf32>
        tpu.vector_store %arg7[%swap3A_187, %swap3A_188], %swap3A_191 {strides = array<i32>} : memref<400x64xf32, #tpu.memory_space<vmem>>, vector<1x16xf32>,
      }
      %scan3A_43 = arith.constant 200 : i32
      %mul3A_44 = arith.constant 400 : i32
      %mul3A_45 = arith.muli %mul3A_21, %mul3A_44 : i32
      %add3A_46 = arith.addi %mul3A_4, %mul3A_45 : i32
      %dma_start3A_47 = arith.constant 0 : i32
      %dma_start3A_48 = tpu.memref_slice %arg5[%add3A_46, %dma_start3A_47] : memref<819200x64xf32, #tpu.memory_space<hbm>> -> memref<400x64xf32, #tpu.memory_space<hbm>>
      %dma_start3A_49 = arith.constant 0 : i32
      %dma_start3A_50 = tpu.memref_slice %arg5[%add3A_46, %dma_start3A_49] : memref<819200x64xf32, #tpu.memory_space<hbm>> -> memref<400x64xf32, #tpu.memory_space<hbm>>
      tpu.enqueue_dma source(%arg7 : memref<400x64xf32, #tpu.memory_space<vmem>>) target(%dma_start3A_50 : memref<400x64xf32, #tpu.memory_space<hbm>>) target_semaphore(%arg12 : memref<!tpu.dma_semaphore, #tpu.memory_space<semaphore_mem>>)
      %mul3A_51 = arith.constant 400 : i32
      %mul3A_52 = arith.muli %add3A_23, %mul3A_51 : i32
      %dma_wait3A_53 = tpu.memref_slice %arg6[%mul3A_52] : memref<25600xi32, #tpu.memory_space<vmem>> -> memref<400xi32, #tpu.memory_space<vmem>>
      %dma_wait3A_54 = arith.constant 0 : i32
      %dma_wait3A_55 = arith.constant 0 : i32
      %dma_wait3A_56 = tpu.memref_slice %arg3[%dma_wait3A_54, %dma_wait3A_55] : memref<1000001x64xf32, #tpu.memory_space<hbm>> -> memref<1000001x64xf32, #tpu.memory_space<hbm>>
      tpu.wait_indirect_dma semaphore(%arg11 : memref<!tpu.dma_semaphore, #tpu.memory_space<semaphore_mem>>) src(%dma_wait3A_56 : memref<1000001x64xf32, #tpu.memory_space<hbm>>) dst(%arg8 : memref<400x64xf32, #tpu.memory_space<vmem>>)
      %mul3A_57 = arith.constant 400 : i32
      %mul3A_58 = arith.muli %mul3A_21, %mul3A_57 : i32
      %add3A_59 = arith.addi %mul3A_4, %mul3A_58 : i32
      %dma_wait3A_60 = arith.constant 0 : i32
      %dma_wait3A_61 = tpu.memref_slice %arg5[%add3A_59, %dma_wait3A_60] : memref<819200x64xf32, #tpu.memory_space<hbm>> -> memref<400x64xf32, #tpu.memory_space<hbm>>
      %dma_wait3A_62 = arith.constant 0 : i32
      %dma_wait3A_63 = tpu.memref_slice %arg5[%add3A_59, %dma_wait3A_62] : memref<819200x64xf32, #tpu.memory_space<hbm>> -> memref<400x64xf32, #tpu.memory_space<hbm>>
      tpu.wait_dma2 semaphore(%arg12 : memref<!tpu.dma_semaphore, #tpu.memory_space<semaphore_mem>>) src(%arg7 : memref<400x64xf32, #tpu.memory_space<vmem>>) dst(%dma_wait3A_63 : memref<400x64xf32, #tpu.memory_space<hbm>>)
      %lt3A = arith.constant 31 : i32
      %lt3A_64 = arith.cmpi slt, %scan3A_19, %lt3A : i32
      %convert_element_type3A_65 = arith.extui %lt3A_64 : i1 to i32
      %cond3A_66 = arith.constant 0 : i32
      %cond3A_67 = arith.cmpi ne, %convert_element_type3A_65, %cond3A_66 : i32
      scf.if %cond3A_67 {
        %add3A_81 = arith.constant 1 : i32
        %add3A_82 = arith.addi %add3A_23, %add3A_81 : i32
        %mul3A_83 = arith.constant 400 : i32
        %mul3A_84 = arith.muli %add3A_82, %mul3A_83 : i32
        %dma_start3A_85 = tpu.memref_slice %arg6[%mul3A_84] : memref<25600xi32, #tpu.memory_space<vmem>> -> memref<400xi32, #tpu.memory_space<vmem>>
        %dma_start3A_86 = arith.constant 0 : i32
        %dma_start3A_87 = arith.constant 0 : i32
        %dma_start3A_88 = tpu.memref_slice %arg3[%dma_start3A_86, %dma_start3A_87] : memref<1000001x64xf32, #tpu.memory_space<hbm>> -> memref<1000001x64xf32, #tpu.memory_space<hbm>>
        tpu.enqueue_indirect_dma source(%dma_start3A_88 : memref<1000001x64xf32, #tpu.memory_space<hbm>>) target(%arg7 : memref<400x64xf32, #tpu.memory_space<vmem>>) offsets(%dma_start3A_85 : memref<400xi32, #tpu.memory_space<vmem>>) semaphore(%arg10 : memref<!tpu.dma_semaphore, #tpu.memory_space<semaphore_mem>>)
      } else {
      }
      %scan3A_68 = arith.constant 0 : i32
      %scan3A_69 = arith.constant 0 : i32
      %scan3A_70 = arith.constant 200 : i32
      %scan3A_71 = arith.addi %scan3A_69, %scan3A_70 : i32
      %scan3A_72 = arith.constant 1 : i32
      scf.for %scan3A_81 = %scan3A_69 to %scan3A_71 step %scan3A_72  : i32 {
        %get3A = arith.index_cast %scan3A_81 : i32 to index
        %get3A_82 = arith.constant 0 : index
        %get3A_83 = tpu.vector_load %arg9[%get3A, %get3A_82] {strides = array<i32>} : memref<200x64xf32, #tpu.memory_space<vmem>>, vector<1x16xf32>,
        %get3A_84 = vector.shape_cast %get3A_83 : vector<1x16xf32> to vector<16xf32>
        %add3A_85 = arith.constant 0 : i32
        %add3A_86 = arith.addi %add3A_85, %scan3A_81 : i32
        %get3A_87 = arith.index_cast %add3A_86 : i32 to index
        %get3A_88 = arith.constant 0 : index
        %get3A_89 = tpu.vector_load %arg8[%get3A_87, %get3A_88] {strides = array<i32>} : memref<400x64xf32, #tpu.memory_space<vmem>>, vector<1x16xf32>,
        %get3A_90 = vector.shape_cast %get3A_89 : vector<1x16xf32> to vector<16xf32>
        %add3A_91 = arith.addf %get3A_90, %get3A_84 : vector<16xf32>
        %swap3A = arith.index_cast %add3A_86 : i32 to index
        %swap3A_92 = arith.constant 0 : index
        %swap3A_93 = tpu.vector_load %arg8[%swap3A, %swap3A_92] {strides = array<i32>} : memref<400x64xf32, #tpu.memory_space<vmem>>, vector<1x16xf32>,
        %swap3A_94 = vector.shape_cast %swap3A_93 : vector<1x16xf32> to vector<16xf32>
        %swap3A_95 = vector.shape_cast %add3A_91 : vector<16xf32> to vector<1x16xf32>
        tpu.vector_store %arg8[%swap3A, %swap3A_92], %swap3A_95 {strides = array<i32>} : memref<400x64xf32, #tpu.memory_space<vmem>>, vector<1x16xf32>,
        %add3A_96 = arith.constant 200 : i32
        %add3A_97 = arith.addi %add3A_96, %scan3A_81 : i32
        %get3A_98 = arith.index_cast %add3A_97 : i32 to index
        %get3A_99 = arith.constant 0 : index
        %get3A_100 = tpu.vector_load %arg8[%get3A_98, %get3A_99] {strides = array<i32>} : memref<400x64xf32, #tpu.memory_space<vmem>>, vector<1x16xf32>,
        %get3A_101 = vector.shape_cast %get3A_100 : vector<1x16xf32> to vector<16xf32>
        %add3A_102 = arith.addf %get3A_101, %get3A_84 : vector<16xf32>
        %swap3A_103 = arith.index_cast %add3A_97 : i32 to index
        %swap3A_104 = arith.constant 0 : index
        %swap3A_105 = tpu.vector_load %arg8[%swap3A_103, %swap3A_104] {strides = array<i32>} : memref<400x64xf32, #tpu.memory_space<vmem>>, vector<1x16xf32>,
        %swap3A_106 = vector.shape_cast %swap3A_105 : vector<1x16xf32> to vector<16xf32>
        %swap3A_107 = vector.shape_cast %add3A_102 : vector<16xf32> to vector<1x16xf32>
        tpu.vector_store %arg8[%swap3A_103, %swap3A_104], %swap3A_107 {strides = array<i32>} : memref<400x64xf32, #tpu.memory_space<vmem>>, vector<1x16xf32>,
        %get3A_108 = arith.index_cast %scan3A_81 : i32 to index
        %get3A_109 = arith.constant 16 : index
        %get3A_110 = tpu.vector_load %arg9[%get3A_108, %get3A_109] {strides = array<i32>} : memref<200x64xf32, #tpu.memory_space<vmem>>, vector<1x16xf32>,
        %get3A_111 = vector.shape_cast %get3A_110 : vector<1x16xf32> to vector<16xf32>
        %add3A_112 = arith.constant 0 : i32
        %add3A_113 = arith.addi %add3A_112, %scan3A_81 : i32
        %get3A_114 = arith.index_cast %add3A_113 : i32 to index
        %get3A_115 = arith.constant 16 : index
        %get3A_116 = tpu.vector_load %arg8[%get3A_114, %get3A_115] {strides = array<i32>} : memref<400x64xf32, #tpu.memory_space<vmem>>, vector<1x16xf32>,
        %get3A_117 = vector.shape_cast %get3A_116 : vector<1x16xf32> to vector<16xf32>
        %add3A_118 = arith.addf %get3A_117, %get3A_111 : vector<16xf32>
        %swap3A_119 = arith.index_cast %add3A_113 : i32 to index
        %swap3A_120 = arith.constant 16 : index
        %swap3A_121 = tpu.vector_load %arg8[%swap3A_119, %swap3A_120] {strides = array<i32>} : memref<400x64xf32, #tpu.memory_space<vmem>>, vector<1x16xf32>,
        %swap3A_122 = vector.shape_cast %swap3A_121 : vector<1x16xf32> to vector<16xf32>
        %swap3A_123 = vector.shape_cast %add3A_118 : vector<16xf32> to vector<1x16xf32>
        tpu.vector_store %arg8[%swap3A_119, %swap3A_120], %swap3A_123 {strides = array<i32>} : memref<400x64xf32, #tpu.memory_space<vmem>>, vector<1x16xf32>,
        %add3A_124 = arith.constant 200 : i32
        %add3A_125 = arith.addi %add3A_124, %scan3A_81 : i32
        %get3A_126 = arith.index_cast %add3A_125 : i32 to index
        %get3A_127 = arith.constant 16 : index
        %get3A_128 = tpu.vector_load %arg8[%get3A_126, %get3A_127] {strides = array<i32>} : memref<400x64xf32, #tpu.memory_space<vmem>>, vector<1x16xf32>,
        %get3A_129 = vector.shape_cast %get3A_128 : vector<1x16xf32> to vector<16xf32>
        %add3A_130 = arith.addf %get3A_129, %get3A_111 : vector<16xf32>
        %swap3A_131 = arith.index_cast %add3A_125 : i32 to index
        %swap3A_132 = arith.constant 16 : index
        %swap3A_133 = tpu.vector_load %arg8[%swap3A_131, %swap3A_132] {strides = array<i32>} : memref<400x64xf32, #tpu.memory_space<vmem>>, vector<1x16xf32>,
        %swap3A_134 = vector.shape_cast %swap3A_133 : vector<1x16xf32> to vector<16xf32>
        %swap3A_135 = vector.shape_cast %add3A_130 : vector<16xf32> to vector<1x16xf32>
        tpu.vector_store %arg8[%swap3A_131, %swap3A_132], %swap3A_135 {strides = array<i32>} : memref<400x64xf32, #tpu.memory_space<vmem>>, vector<1x16xf32>,
        %get3A_136 = arith.index_cast %scan3A_81 : i32 to index
        %get3A_137 = arith.constant 32 : index
        %get3A_138 = tpu.vector_load %arg9[%get3A_136, %get3A_137] {strides = array<i32>} : memref<200x64xf32, #tpu.memory_space<vmem>>, vector<1x16xf32>,
        %get3A_139 = vector.shape_cast %get3A_138 : vector<1x16xf32> to vector<16xf32>
        %add3A_140 = arith.constant 0 : i32
        %add3A_141 = arith.addi %add3A_140, %scan3A_81 : i32
        %get3A_142 = arith.index_cast %add3A_141 : i32 to index
        %get3A_143 = arith.constant 32 : index
        %get3A_144 = tpu.vector_load %arg8[%get3A_142, %get3A_143] {strides = array<i32>} : memref<400x64xf32, #tpu.memory_space<vmem>>, vector<1x16xf32>,
        %get3A_145 = vector.shape_cast %get3A_144 : vector<1x16xf32> to vector<16xf32>
        %add3A_146 = arith.addf %get3A_145, %get3A_139 : vector<16xf32>
        %swap3A_147 = arith.index_cast %add3A_141 : i32 to index
        %swap3A_148 = arith.constant 32 : index
        %swap3A_149 = tpu.vector_load %arg8[%swap3A_147, %swap3A_148] {strides = array<i32>} : memref<400x64xf32, #tpu.memory_space<vmem>>, vector<1x16xf32>,
        %swap3A_150 = vector.shape_cast %swap3A_149 : vector<1x16xf32> to vector<16xf32>
        %swap3A_151 = vector.shape_cast %add3A_146 : vector<16xf32> to vector<1x16xf32>
        tpu.vector_store %arg8[%swap3A_147, %swap3A_148], %swap3A_151 {strides = array<i32>} : memref<400x64xf32, #tpu.memory_space<vmem>>, vector<1x16xf32>,
        %add3A_152 = arith.constant 200 : i32
        %add3A_153 = arith.addi %add3A_152, %scan3A_81 : i32
        %get3A_154 = arith.index_cast %add3A_153 : i32 to index
        %get3A_155 = arith.constant 32 : index
        %get3A_156 = tpu.vector_load %arg8[%get3A_154, %get3A_155] {strides = array<i32>} : memref<400x64xf32, #tpu.memory_space<vmem>>, vector<1x16xf32>,
        %get3A_157 = vector.shape_cast %get3A_156 : vector<1x16xf32> to vector<16xf32>
        %add3A_158 = arith.addf %get3A_157, %get3A_139 : vector<16xf32>
        %swap3A_159 = arith.index_cast %add3A_153 : i32 to index
        %swap3A_160 = arith.constant 32 : index
        %swap3A_161 = tpu.vector_load %arg8[%swap3A_159, %swap3A_160] {strides = array<i32>} : memref<400x64xf32, #tpu.memory_space<vmem>>, vector<1x16xf32>,
        %swap3A_162 = vector.shape_cast %swap3A_161 : vector<1x16xf32> to vector<16xf32>
        %swap3A_163 = vector.shape_cast %add3A_158 : vector<16xf32> to vector<1x16xf32>
        tpu.vector_store %arg8[%swap3A_159, %swap3A_160], %swap3A_163 {strides = array<i32>} : memref<400x64xf32, #tpu.memory_space<vmem>>, vector<1x16xf32>,
        %get3A_164 = arith.index_cast %scan3A_81 : i32 to index
        %get3A_165 = arith.constant 48 : index
        %get3A_166 = tpu.vector_load %arg9[%get3A_164, %get3A_165] {strides = array<i32>} : memref<200x64xf32, #tpu.memory_space<vmem>>, vector<1x16xf32>,
        %get3A_167 = vector.shape_cast %get3A_166 : vector<1x16xf32> to vector<16xf32>
        %add3A_168 = arith.constant 0 : i32
        %add3A_169 = arith.addi %add3A_168, %scan3A_81 : i32
        %get3A_170 = arith.index_cast %add3A_169 : i32 to index
        %get3A_171 = arith.constant 48 : index
        %get3A_172 = tpu.vector_load %arg8[%get3A_170, %get3A_171] {strides = array<i32>} : memref<400x64xf32, #tpu.memory_space<vmem>>, vector<1x16xf32>,
        %get3A_173 = vector.shape_cast %get3A_172 : vector<1x16xf32> to vector<16xf32>
        %add3A_174 = arith.addf %get3A_173, %get3A_167 : vector<16xf32>
        %swap3A_175 = arith.index_cast %add3A_169 : i32 to index
        %swap3A_176 = arith.constant 48 : index
        %swap3A_177 = tpu.vector_load %arg8[%swap3A_175, %swap3A_176] {strides = array<i32>} : memref<400x64xf32, #tpu.memory_space<vmem>>, vector<1x16xf32>,
        %swap3A_178 = vector.shape_cast %swap3A_177 : vector<1x16xf32> to vector<16xf32>
        %swap3A_179 = vector.shape_cast %add3A_174 : vector<16xf32> to vector<1x16xf32>
        tpu.vector_store %arg8[%swap3A_175, %swap3A_176], %swap3A_179 {strides = array<i32>} : memref<400x64xf32, #tpu.memory_space<vmem>>, vector<1x16xf32>,
        %add3A_180 = arith.constant 200 : i32
        %add3A_181 = arith.addi %add3A_180, %scan3A_81 : i32
        %get3A_182 = arith.index_cast %add3A_181 : i32 to index
        %get3A_183 = arith.constant 48 : index
        %get3A_184 = tpu.vector_load %arg8[%get3A_182, %get3A_183] {strides = array<i32>} : memref<400x64xf32, #tpu.memory_space<vmem>>, vector<1x16xf32>,
        %get3A_185 = vector.shape_cast %get3A_184 : vector<1x16xf32> to vector<16xf32>
        %add3A_186 = arith.addf %get3A_185, %get3A_167 : vector<16xf32>
        %swap3A_187 = arith.index_cast %add3A_181 : i32 to index
        %swap3A_188 = arith.constant 48 : index
        %swap3A_189 = tpu.vector_load %arg8[%swap3A_187, %swap3A_188] {strides = array<i32>} : memref<400x64xf32, #tpu.memory_space<vmem>>, vector<1x16xf32>,
        %swap3A_190 = vector.shape_cast %swap3A_189 : vector<1x16xf32> to vector<16xf32>
        %swap3A_191 = vector.shape_cast %add3A_186 : vector<16xf32> to vector<1x16xf32>
        tpu.vector_store %arg8[%swap3A_187, %swap3A_188], %swap3A_191 {strides = array<i32>} : memref<400x64xf32, #tpu.memory_space<vmem>>, vector<1x16xf32>,
      }
      %scan3A_73 = arith.constant 200 : i32
      %mul3A_74 = arith.constant 400 : i32
      %mul3A_75 = arith.muli %add3A_23, %mul3A_74 : i32
      %add3A_76 = arith.addi %mul3A_4, %mul3A_75 : i32
      %dma_start3A_77 = arith.constant 0 : i32
      %dma_start3A_78 = tpu.memref_slice %arg5[%add3A_76, %dma_start3A_77] : memref<819200x64xf32, #tpu.memory_space<hbm>> -> memref<400x64xf32, #tpu.memory_space<hbm>>
      %dma_start3A_79 = arith.constant 0 : i32
      %dma_start3A_80 = tpu.memref_slice %arg5[%add3A_76, %dma_start3A_79] : memref<819200x64xf32, #tpu.memory_space<hbm>> -> memref<400x64xf32, #tpu.memory_space<hbm>>
      tpu.enqueue_dma source(%arg8 : memref<400x64xf32, #tpu.memory_space<vmem>>) target(%dma_start3A_80 : memref<400x64xf32, #tpu.memory_space<hbm>>) target_semaphore(%arg13 : memref<!tpu.dma_semaphore, #tpu.memory_space<semaphore_mem>>)
    }
    %scan3A_13 = arith.constant 32 : i32
    %add3A_14 = arith.constant 25200 : i32
    %add3A_15 = arith.addi %mul3A_4, %add3A_14 : i32
    %dma_wait3A = arith.constant 0 : i32
    %dma_wait3A_16 = tpu.memref_slice %arg5[%add3A_15, %dma_wait3A] : memref<819200x64xf32, #tpu.memory_space<hbm>> -> memref<400x64xf32, #tpu.memory_space<hbm>>
    %dma_wait3A_17 = arith.constant 0 : i32
    %dma_wait3A_18 = tpu.memref_slice %arg5[%add3A_15, %dma_wait3A_17] : memref<819200x64xf32, #tpu.memory_space<hbm>> -> memref<400x64xf32, #tpu.memory_space<hbm>>
    tpu.wait_dma2 semaphore(%arg13 : memref<!tpu.dma_semaphore, #tpu.memory_space<semaphore_mem>>) src(%arg8 : memref<400x64xf32, #tpu.memory_space<vmem>>) dst(%dma_wait3A_18 : memref<400x64xf32, #tpu.memory_space<hbm>>)
    return
  }
}

</mosaic_0001>

<sc_bundles>
// kernel: kernel.3.cloned.1.call-start
scs
__scs_entry_jumppad:
0x0: {  	(pc) =	sbr.rel $0x88, $3  }
0x1: {  	(tag) =	ssettag $0x0;
	lr =	simm.s32 $0x1  }
0x2: {  	[smem:$0x3F9F] =	sst lr;
	_ =	strace $0xD0000000  }
0x3: {  	_ = 	snop  }
0x4: {  	_ = 	snop  }
0x5: {  	_ = 	snop  }
0x6: {  	_ = 	snop  }
0x7: {  	_ = 	snop  }
__scs_overlays_trampoline_lowered:
0x8: {  	[smem:$0x3FAE] =	sst s0  }
0x9: {  	[smem:$0x3FAF] =	sst s1  }
0xa: {  	[smem:$0x3FB0] =	sst s2  }
0xb: {  	[smem:$0x3FB1] =	sst s3  }
0xc: {  	[smem:$0x3FB2] =	sst s4  }
0xd: {  	[smem:$0x3FB3] =	sst s5  }
0xe: {  	[smem:$0x3FB4] =	sst s6  }
0xf: {  	[smem:$0x3FB5] =	sst s7  }
0x10: {  	[smem:$0x3FB6] =	sst s8  }
0x11: {  	[smem:$0x3FB7] =	sst s9;
	s0 =	simm.s32 @!p0 $0x0  }
0x12: {  	s1 =	sld [smem:$0x3F9D];
	s0 =	simm.s32 @p0 $0x1  }
0x13: {  	[smem:$0x3FB8] =	sst s0;
	s0 =	simm.s32 @!p1 $0x0  }
0x14: {  	s2 =	sld [smem:$0x3F9C];
	s0 =	simm.s32 @p1 $0x1  }
0x15: {  	[smem:$0x3FB9] =	sst s0;
	s0 =	simm.s32 @!p2 $0x0  }
0x16: {  	s3 =	sld [smem:$0x3FDB];
	s0 =	simm.s32 @p2 $0x1  }
0x17: {  	s4 =	simm.s32 $0x1BF5;
	[smem:$0x3FBB] =	sst s0  }
0x18: {  	s0 =	sld [smem:$0x3F9E];
	_ =	swait.ge [sflag:s4], $0x0  }
0x19: {  	s7 =	sld [smem:$0x3F9F]  }
0x1a: {  	s8 =	sadd.s32 $0xFFFFE003, lr  }
0x1b: {  	s9 =	sadd.s32 $0xFFFFFEF7, lr;
	s5 =	simm.s32 $0xFFFFFFFF;
	p2 =	slt.u32 s8, $0xFFFFF086  }
0x1c: {  	p1 =	slt.u32 s9, $0xF7A;
	s5 =	simm.s32 @!p2 $0x0  }
0x1d: {  	s5 =	simm.s32 @p1 $0x1;
	p0 =	seq.s32 s7, s2  }
0x1e: {  	s7 =	smul.u32 @!p0 $0xF7A, s2;
	p2 =	seq.s32 @!p0 s5, $0x0  }
0x1f: {  	s9 =	smul.u32 $0xF7A, s1;
	s8 =	simm.s32 @!p0 $0x1BF5;
	p2 =	por !p2, p0  }
0x20: {  	[sflag:s8] =	ssyncset.s32 @!p0 $0xFFFFF086;
	s6 =	sadd.s32 @!p0 s3, s7;
	s7 =	simm.s32 @!p0 $0x108  }
0x21: {  	s3 =	sadd.s32 s3, s9;
	s6 =	sadd.s32 @!p0 $0x88, s6;
	s7 =	simm.s32 @p2 $0x1082  }
0x22: {  	[simem:s7], [sflag:s8] =	dma.local @!p0 [hbm:s6], $0xF7A  }
0x23: {  	s9 =	sor.u32 $0xD0000000, s2;
	s6 =	simm.s32 $0x108;
	_ =	swait.ge @!p0 [sflag:s8], $0x0  }
0x24: {  	s3 =	sadd.s32 $0x88, s3;
	s6 =	simm.s32 @!p1 $0x1082;
	[sflag:s4] =	ssyncset.s32 $0xFFFFF086  }
0x25: {  	[simem:s6], [sflag:s4] =	dma.local [hbm:s3], $0xF7A  }
0x26: {  	[smem:$0x3F9F] =	sst s1;
	(tag) =	ssettag s2;
	_ =	strace s9  }
0x27: {  	s1 =	sld [smem:$0x3FAF]  }
0x28: {  	s2 =	sld [smem:$0x3FB0]  }
0x29: {  	s4 =	sld [smem:$0x3FB2]  }
0x2a: {  	p0 =	seq.s32 s5, $0x0;
	s5 =	sld [smem:$0x3FB3]  }
0x2b: {  	s6 =	sld [smem:$0x3FB4]  }
0x2c: {  	s7 =	sld [smem:$0x3FB5]  }
0x2d: {  	s3 =	simm.s32 $0x108;
	s8 =	sld [smem:$0x3FB6]  }
0x2e: {  	s3 =	simm.s32 @!p0 $0x1082;
	s9 =	sld [smem:$0x3FB7]  }
0x2f: {  	lr =	sadd.s32 s0, s3;
	s0 =	sld [smem:$0x3FAE]  }
0x30: {  	s3 =	sld [smem:$0x3FB1]  }
0x31: {  	[smem:$0x3FBA] =	sst s10  }
0x32: {  	s10 =	sld [smem:$0x3FB8];
	_ =	sdelay $0x3  }
0x33: {  	p0 =	seq.s32 s10, $0x1;
	s10 =	sld [smem:$0x3FBA];
	_ =	sdelay $0x3  }
0x34: {  	[smem:$0x3FBA] =	sst s10  }
0x35: {  	s10 =	sld [smem:$0x3FB9];
	_ =	sdelay $0x3  }
0x36: {  	p1 =	seq.s32 s10, $0x1;
	s10 =	sld [smem:$0x3FBA];
	_ =	sdelay $0x3  }
0x37: {  	[smem:$0x3FBA] =	sst s10  }
0x38: {  	s10 =	sld [smem:$0x3FBB]  }
0x39: {  	_ = 	snop;
	(pc) =	sbr.ind lr, $3  }
0x3a: {  	_ = 	snop  }
0x3b: {  	_ = 	snop  }
0x3c: {  	p2 =	seq.s32 s10, $0x1;
	s10 =	sld [smem:$0x3FBA]  }
0x3d: {  	_ =	shalt  }
0x3e: {  	_ =	shalt  }
0x3f: {  	_ =	shalt  }
0x40: {  	_ =	shalt  }
0x41: {  	_ =	shalt  }
0x42: {  	_ =	shalt  }
0x43: {  	_ =	shalt  }
0x44: {  	_ =	shalt  }
0x45: {  	_ =	shalt  }
0x46: {  	_ =	shalt  }
0x47: {  	_ =	shalt  }
0x48: {  	_ =	shalt  }
0x49: {  	_ =	shalt  }
0x4a: {  	_ =	shalt  }
0x4b: {  	_ =	shalt  }
0x4c: {  	_ =	shalt  }
0x4d: {  	_ =	shalt  }
0x4e: {  	_ =	shalt  }
0x4f: {  	_ =	shalt  }
0x50: {  	_ =	shalt  }
0x51: {  	_ =	shalt  }
0x52: {  	_ =	shalt  }
0x53: {  	_ =	shalt  }
0x54: {  	_ =	shalt  }
0x55: {  	_ =	shalt  }
0x56: {  	_ =	shalt  }
0x57: {  	_ =	shalt  }
0x58: {  	_ =	shalt  }
0x59: {  	_ =	shalt  }
0x5a: {  	_ =	shalt  }
0x5b: {  	_ =	shalt  }
0x5c: {  	_ =	shalt  }
0x5d: {  	_ =	shalt  }
0x5e: {  	_ =	shalt  }
0x5f: {  	_ =	shalt  }
0x60: {  	_ =	shalt  }
0x61: {  	_ =	shalt  }
0x62: {  	_ =	shalt  }
0x63: {  	_ =	shalt  }
0x64: {  	_ =	shalt  }
0x65: {  	_ =	shalt  }
0x66: {  	_ =	shalt  }
0x67: {  	_ =	shalt  }
0x68: {  	_ =	shalt  }
0x69: {  	_ =	shalt  }
0x6a: {  	_ =	shalt  }
0x6b: {  	_ =	shalt  }
0x6c: {  	_ =	shalt  }
0x6d: {  	_ =	shalt  }
0x6e: {  	_ =	shalt  }
0x6f: {  	_ =	shalt  }
0x70: {  	_ =	shalt  }
0x71: {  	_ =	shalt  }
0x72: {  	_ =	shalt  }
0x73: {  	_ =	shalt  }
0x74: {  	_ =	shalt  }
0x75: {  	_ =	shalt  }
0x76: {  	_ =	shalt  }
0x77: {  	_ =	shalt  }
0x78: {  	_ =	shalt  }
0x79: {  	_ =	shalt  }
0x7a: {  	_ =	shalt  }
0x7b: {  	_ =	shalt  }
0x7c: {  	_ =	shalt  }
0x7d: {  	_ =	shalt  }
0x7e: {  	_ =	shalt  }
0x7f: {  	_ =	shalt  }
0x80: {  	_ =	shalt  }
0x81: {  	_ =	shalt  }
0x82: {  	_ =	shalt  }
0x83: {  	_ =	shalt  }
0x84: {  	_ =	shalt  }
0x85: {  	_ =	shalt  }
0x86: {  	_ =	shalt  }
0x87: {  	_ =	shalt  }
.Lfunc_end0:
.L_simem_size_0:
called_computation.1_lowered:
.L_overlay_start_0:
0x88: {  	s2 =	sld [smem:$0x3FD9]  }
0x89: {  	s3 =	sld [smem:$0x3FFE];
	_ =	sdelay $0x1  }
0x8a: {  	s1 =	srdreg.scid  }
0x8b: {  	s0 =	sand.u32 $0x1, s1  }
0x8c: {  	s17 =	sshll.u32 s0, $0xA;
	s2 =	sadd.s32 s3, s2  }
0x8d: {  	s2 =	sadd.s32 s2, s17  }
0x8e: {  	[smem:$0x3FC6] =	sst s2  }
0x8f: {  	_ = 	snop  }
0x90: {  	s2 =	sld [smem:$0x3FD0];
	(tm) =	ssettm $0x1  }
0x91: {  	s18 =	sld [smem:$0x3FFB];
	_ =	sdelay $0x3  }
0x92: {  	_ =	strace s18  }
0x93: {  	s3 =	sld [smem:$0x3FFC];
	_ =	sdelay $0x3  }
0x94: {  	_ =	strace s3  }
0x95: {  	s3 =	sld [smem:$0x3FFD];
	_ =	sdelay $0x3  }
0x96: {  	_ =	strace s3  }
0x97: {  	_ =	strace $0x8FFFFFFF  }
0x98: {  	s19 =	sld [smem:$0x3FDB];
	_ =	sdelay $0x1  }
0x99: {  	s4 =	simm.s32 $_scs_section_size  }
0x9a: {  	s5 =	simm.s32 $_size__tile_overlayer_lowered;
	s6 =	simm.s32 $_tile_overlayer_lowered  }
0x9b: {  	s22 =	simm.s32 $0x1BFF;
	s21 =	sshll.u32 s6, $0x1;
	s3 =	sadd.s32 s4, s19  }
0x9c: {  	s7 =	simm.s32 $0x0;
	s20 =	sshll.u32 s5, $0x1;
	s5 =	sadd.s32 s21, s3  }
0x9d: {  	[timem:s7], [sflag:s22] =	dma.local [hbm:s5], s20  }
0x9e: {  	_ =	swait.ge [sflag:s22], s20  }
0x9f: {  	s4 =	ssub.s32 $0x0, s20;
	[sflag:s22] =	ssyncset.done $0x0  }
0xa0: {  	[sflag:s22] =	ssyncadd.s32 s4;
	_ =	sdelay $0x1  }
0xa1: {  	s23 =	simm.s32 $0x1B8B  }
0xa2: {  	_ =	swait.ge [sflag:s23], $0x1  }
0xa3: {  	[sflag:s23] =	ssyncset.done $0x0  }
0xa4: {  	s25 =	simm.s32 $0x1B8E;
	s24 =	sld [smem:$0x3FFE];
	[sflag:s23] =	ssyncadd.s32 $0xFFFFFFFF  }
0xa5: {  	s26 =	simm.s32 $execute0_lowered;
	[smem:$0x3FD2] =	sst s25  }
0xa6: {  	s5 =	sshll.u32 s26, $0x1;
	_ =	strace $0x80000046;
	[dreg:$0x1] =	wrdreg $0xFFFFFFFF  }
0xa7: {  	s28 =	simm.s32 $_size_execute0_lowered;
	s3 =	sadd.s32 s3, s5;
	[dreg:$0x0] =	wrdreg $0x0  }
0xa8: {  	s5 =	sshll.u32 s28, $0x1;
	[dreg:$0x2] =	wrdreg s3  }
0xa9: {  	[dreg:$0x3] =	wrdreg s5  }
0xaa: {  	[dreg:$0x4] =	wrdreg $0xC0  }
0xab: {  	_ =	task [dreg:s7], $0x5FFFF  }
0xac: {  	[dreg:$0x1] =	wrdreg $0xFFFFFFFF  }
0xad: {  	[dreg:$0x0] =	wrdreg $0x60  }
0xae: {  	[dreg:$0x2] =	wrdreg s24  }
0xaf: {  	[dreg:$0x3] =	wrdreg s2  }
0xb0: {  	[dreg:$0x4] =	wrdreg $0x9  }
0xb1: {  	_ =	task.clear_ibuf [dreg:s7], $0x5FFFF;
	_ =	strace $0x90000046  }
0xb2: {  	s29 =	simm.s32 $0x9;
	_ =	strace $0x80000048  }
0xb3: {  	_ =	swait.ge [sflag:s29], $0x1  }
0xb4: {  	[sflag:s29] =	ssyncadd.s32 $0xFFFFFFFF  }
0xb5: {  	_ =	strace $0x90000048  }
0xb6: {  	_ =	sfence  }
0xb7: {  	s30 =	sld [smem:$0x0];
	_ =	sdelay $0x2  }
0xb8: {  	s31 =	sshll.u32 s1, $0xD;
	s1 =	sshrl.u32 s1, $0x2  }
0xb9: {  	s3 =	sand.u32 $0x4000, s31;
	s1 =	sadd.s32 s1, s30  }
0xba: {  	s0 =	sor.u32 s3, s0;
	s1 =	sshll.u32 s1, $0x11  }
0xbb: {  	s0 =	sor.u32 s1, s0  }
0xbc: {  	s0 =	sadd.s32 $0x8F2B, s0  }
0xbd: {  	[sflag:s0] =	ssyncadd.remote.s32 $0x1  }
0xbe: {  	_ =	sfence.sel $0xFFFF  }
0xbf: {  	[dreg:$0x0] =	wrdreg $0xFFFFFFFF;
	(pc) =	sbr.abs _section_cstart, $3  }
0xc0: {  	[dreg:$0x1] =	wrdreg $0xFFFFFFFF  }
0xc1: {  	_ =	task.clear_ibuf [dreg:s7], $0x2FFFF;
	_ =	strace $0x9FFFFFFF  }
0xc2: {  	(tm) =	ssettm $0x7FFFFFFF  }
0xc3: {  	_ =	shalt  }
tec
execute0_lowered:
.L_overlay_start_1:
0x0: {  	(tag) =	ssettag $0x1  }
0x1: {  	s1 =	srdreg.scid;
	s6 =	rddreg [dreg:$0x0]  }
0x2: {  	s0 =	stileid.u32;
	s2 =	rddreg [dreg:$0x1]  }
0x3: {  	s4 =	simm.s32 $0x0;
	s10 =	simm.s32 $0x5;
	s11 =	simm.s32 $0x190  }
0x4: {  	s12 =	simm.s32 $0x6400;
	s13 =	simm.s32 $0x1;
	s14 =	simm.s32 $0xC800  }
0x5: {  	s15 =	simm.s32 $0x2;
	s5 =	sand.u32 $0x1, s1;
	s31 =	sshll.u32 s0, $0x1  }
0x6: {  	s16 =	simm.s32 $0x3;
	s17 =	simm.s32 $0x4;
	s1 =	sor.u32 s5, s31  }
0x7: {  	s18 =	simm.s32 $0x0;
	[smem:$0x7FF] =	sst s4;
	s3 =	smul.u32 $0x6400, s1  }
0x8: {  	s8 =	ssub.s32 $0x2, s5;
	s5 =	sadd.s32 $0xF43200, s6;
	s1 =	rddreg [dreg:$0x2]  }
0x9: {  	_ =	strace $0x80000047;
	s9 =	sshrl.u32 s8, $0x1;
	s7 =	sshrl.u32 s3, $0x3  }
0xa: {  	s8 =	ssub.s32 s8, s9;
	s9 =	simm.s32 $0x12C00;
	s7 =	sadd.s32 s7, s6  }
0xb: {  	s8 =	smax.u32 s8, $0x1;
	s6 =	sadd.s32 $0x19C00, s6;
	s7 =	sadd.s32 $0xC00, s7  }
.LBB2_1:
0xc: {  	[tilespmem:s9], [sflag:$0x5] =	stream.linear.gather [hbm4b:s6+s4], $0x3200, $0x38;
	[tilespmem:$0x15E00] =	vst v63  }
0xd: {  	_ =	swait.ge [sflag:s10], $0x3200  }
0xe: {  	[sflag:s10] =	ssyncset.done $0x0  }
0xf: {  	[sflag:s10] =	ssyncadd.s32 $0xFFFFCE00  }
0x10: {  	[tilespmem:s4], [sflag:$0x5] =	stream.linear.gather [hbm4b:s7+s4], $0x6400, $0x38;
	[tilespmem:$0x15E00] =	vst v63  }
0x11: {  	_ =	swait.ge [sflag:s10], $0x6400  }
0x12: {  	[sflag:s10] =	ssyncset.done $0x0  }
0x13: {  	s19 =	simm.s32 $0x0;
	[sflag:s10] =	ssyncadd.s32 $0xFFFF9C00  }
0x14: {  	[tilespmem:s12], [sflag:$0x1] =	stream.indirect.gather [hbm4b:s5+s11], $0x40, s4, s11, $0xb8;
	[tilespmem:$0x15E00] =	vst v63  }
.LBB2_2:
0x15: {  	_ =	swait.ge [sflag:s13], $0x6400  }
0x16: {  	p0 =	seq.s32 s19, $0x0;
	[sflag:s13] =	ssyncset.done $0x0  }
0x17: {  	s20 =	simm.s32 @!p0 $0x4;
	[sflag:s13] =	ssyncadd.s32 $0xFFFF9C00  }
0x18: {  	s21 =	smul.u32 $0x320, s19;
	_ =	swait.ge @!p0 [sflag:s20], $0x6400  }
0x19: {  	[sflag:s20] =	ssyncset.done @!p0 $0x0  }
0x1a: {  	s22 =	simm.s32 $0x0;
	[sflag:s20] =	ssyncadd.s32 @!p0 $0xFFFF9C00;
	s20 =	sadd.s32 $0x190, s21  }
0x1b: {  	[tilespmem:s14], [sflag:$0x2] =	stream.indirect.gather [hbm4b:s5+s11], $0x40, s20, s11, $0xb8;
	[tilespmem:$0x15E00] =	vst v63  }
0x1c: {  	v3 =	vld [tilespmem:s22+$0x12C00]  }
0x1d: {  	v1 =	vld [tilespmem:s22+$0x12C10]  }
0x1e: {  	v0 =	vld [tilespmem:s22+$0x12C20]  }
0x1f: {  	v2 =	vld [tilespmem:s22+$0x12C30]  }
0x20: {  	v8 =	vld [tilespmem:s22+$0x6400]  }
0x21: {  	v10 =	vld [tilespmem:s22+$0x9600]  }
0x22: {  	v7 =	vld [tilespmem:s22+$0x6410]  }
0x23: {  	v6 =	vld [tilespmem:s22+$0x9610]  }
0x24: {  	v4 =	vld [tilespmem:s22+$0x6420]  }
0x25: {  	v5 =	vld [tilespmem:s22+$0x9620];
	v9 =	vadd.f32 v8, v3  }
0x26: {  	s23 =	simm.s32 $0x100;
	v8 =	vadd.f32 v10, v3;
	v3 =	vld [tilespmem:s22+$0x6430]  }
.LBB2_3:
0x27: {  	s24 =	sshra.s32 s23, $0x2;
	p0 =	sne.s32 s23, $0xC700;
	[tilespmem:s22+$0x6400] =	vst v9;
	v7 =	vadd.f32 v7, v1;
	v9 =	vld [tilespmem:s22+$0x9630]  }
0x28: {  	v10 =	vld [tilespmem:s24+$0x12C00];
	[tilespmem:s22+$0x9600] =	vst v8;
	v6 =	vadd.f32 v6, v1  }
0x29: {  	v1 =	vld [tilespmem:s24+$0x12C10];
	[tilespmem:s22+$0x6410] =	vst v7;
	v4 =	vadd.f32 v4, v0  }
0x2a: {  	[tilespmem:s22+$0x9610] =	vst v6;
	v5 =	vadd.f32 v5, v0;
	v0 =	vld [tilespmem:s24+$0x12C20]  }
0x2b: {  	v8 =	vld [tilespmem:s24+$0x12C30];
	[tilespmem:s22+$0x6420] =	vst v4;
	v3 =	vadd.f32 v3, v2  }
0x2c: {  	v11 =	vld [tilespmem:s24+$0x6400];
	[tilespmem:s22+$0x9620] =	vst v5;
	v2 =	vadd.f32 v9, v2  }
0x2d: {  	v12 =	vld [tilespmem:s24+$0x9600];
	[tilespmem:s22+$0x6430] =	vst v3  }
.Ltmp0:
0x2e: {  	v7 =	vld [tilespmem:s24+$0x6410];
	[tilespmem:s22+$0x9630] =	vst v2;
	s22 =	smov.u32 s24;
	(pc) =	sbr.rel @p0 .LBB2_3-.Ltmp0, $4  }
0x2f: {  	v6 =	vld [tilespmem:s22+$0x9610]  }
0x30: {  	v4 =	vld [tilespmem:s22+$0x6420];
	v2 =	vmov v8  }
0x31: {  	v9 =	vadd.f32 v11, v10;
	v5 =	vld [tilespmem:s22+$0x9620]  }
0x32: {  	s23 =	sadd.s32 $0x100, s23;
	v8 =	vadd.f32 v12, v10;
	v3 =	vld [tilespmem:s22+$0x6430]  }
0x33: {  	[tilespmem:s22+$0x6400] =	vst v9;
	v7 =	vadd.f32 v7, v1;
	v9 =	vld [tilespmem:s22+$0x9630]  }
0x34: {  	[tilespmem:s22+$0x9600] =	vst v8;
	v1 =	vadd.f32 v6, v1  }
0x35: {  	[tilespmem:s22+$0x6410] =	vst v7;
	v4 =	vadd.f32 v4, v0  }
0x36: {  	[tilespmem:s22+$0x9610] =	vst v1;
	v0 =	vadd.f32 v5, v0  }
0x37: {  	[tilespmem:s22+$0x6420] =	vst v4;
	v1 =	vadd.f32 v3, v2  }
0x38: {  	s21 =	sadd.s32 s3, s21;
	[tilespmem:s22+$0x9620] =	vst v0;
	v0 =	vadd.f32 v9, v2  }
0x39: {  	s21 =	sshll.u32 s21, $0x3;
	[tilespmem:s22+$0x6430] =	vst v1  }
0x3a: {  	s21 =	sadd.s32 s2, s21;
	[tilespmem:s22+$0x9630] =	vst v0  }
0x3b: {  	[hbm4b:s21+s4] =	stream.linear.scatter [tilespmem:s12], [sflag:$0x3], $0x6400, $0x38;
	[tilespmem:$0x15E00] =	vst v63  }
0x3c: {  	_ =	swait.ge [sflag:s15], $0x6400  }
0x3d: {  	p0 =	seq.s32 s19, $0x1F;
	[sflag:s15] =	ssyncset.done $0x0  }
0x3e: {  	s21 =	smul.u32 @!p0 $0xC80, s19;
	[sflag:s15] =	ssyncadd.s32 $0xFFFF9C00  }
0x3f: {  	_ =	swait.ge [sflag:s16], $0x6400  }
0x40: {  	s23 =	simm.s32 @!p0 $0x6400;
	s21 =	sshra.s32 @!p0 s21, $0x2;
	[sflag:s16] =	ssyncset.done $0x0  }
0x41: {  	s22 =	simm.s32 @!p0 $0x190;
	s21 =	sadd.s32 @!p0 $0x320, s21;
	[sflag:s16] =	ssyncadd.s32 $0xFFFF9C00  }
0x42: {  	[tilespmem:s23], [sflag:$0x1] =	stream.indirect.gather @!p0 [hbm4b:s5+s22], $0x40, s21, s22, $0xb8;
	[tilespmem:$0x15E00] =	vst v63  }
0x43: {  	s21 =	simm.s32 $0x0  }
0x44: {  	v3 =	vld [tilespmem:s21+$0x12C00]  }
0x45: {  	v1 =	vld [tilespmem:s21+$0x12C10]  }
0x46: {  	v0 =	vld [tilespmem:s21+$0x12C20]  }
0x47: {  	v2 =	vld [tilespmem:s21+$0x12C30]  }
0x48: {  	v8 =	vld [tilespmem:s21+$0xC800]  }
0x49: {  	v10 =	vld [tilespmem:s21+$0xFA00]  }
0x4a: {  	v7 =	vld [tilespmem:s21+$0xC810]  }
0x4b: {  	v6 =	vld [tilespmem:s21+$0xFA10]  }
0x4c: {  	v4 =	vld [tilespmem:s21+$0xC820]  }
0x4d: {  	v5 =	vld [tilespmem:s21+$0xFA20];
	v9 =	vadd.f32 v8, v3  }
0x4e: {  	s22 =	simm.s32 $0x100;
	v8 =	vadd.f32 v10, v3;
	v3 =	vld [tilespmem:s21+$0xC830]  }
.LBB2_5:
0x4f: {  	s23 =	sshra.s32 s22, $0x2;
	p0 =	sne.s32 s22, $0xC700;
	[tilespmem:s21+$0xC800] =	vst v9;
	v7 =	vadd.f32 v7, v1;
	v9 =	vld [tilespmem:s21+$0xFA30]  }
0x50: {  	v10 =	vld [tilespmem:s23+$0x12C00];
	[tilespmem:s21+$0xFA00] =	vst v8;
	v6 =	vadd.f32 v6, v1  }
0x51: {  	v1 =	vld [tilespmem:s23+$0x12C10];
	[tilespmem:s21+$0xC810] =	vst v7;
	v4 =	vadd.f32 v4, v0  }
0x52: {  	[tilespmem:s21+$0xFA10] =	vst v6;
	v5 =	vadd.f32 v5, v0;
	v0 =	vld [tilespmem:s23+$0x12C20]  }
0x53: {  	v8 =	vld [tilespmem:s23+$0x12C30];
	[tilespmem:s21+$0xC820] =	vst v4;
	v3 =	vadd.f32 v3, v2  }
0x54: {  	v11 =	vld [tilespmem:s23+$0xC800];
	[tilespmem:s21+$0xFA20] =	vst v5;
	v2 =	vadd.f32 v9, v2  }
0x55: {  	v12 =	vld [tilespmem:s23+$0xFA00];
	[tilespmem:s21+$0xC830] =	vst v3  }
.Ltmp1:
0x56: {  	v7 =	vld [tilespmem:s23+$0xC810];
	[tilespmem:s21+$0xFA30] =	vst v2;
	s21 =	smov.u32 s23;
	(pc) =	sbr.rel @p0 .LBB2_5-.Ltmp1, $4  }
0x57: {  	v6 =	vld [tilespmem:s21+$0xFA10]  }
0x58: {  	v4 =	vld [tilespmem:s21+$0xC820];
	v2 =	vmov v8  }
0x59: {  	v9 =	vadd.f32 v11, v10;
	v5 =	vld [tilespmem:s21+$0xFA20]  }
0x5a: {  	s22 =	sadd.s32 $0x100, s22;
	v8 =	vadd.f32 v12, v10;
	v3 =	vld [tilespmem:s21+$0xC830]  }
0x5b: {  	[tilespmem:s21+$0xC800] =	vst v9;
	v7 =	vadd.f32 v7, v1;
	v59 =	vld [tilespmem:s21+$0xFA30]  }
0x5c: {  	[tilespmem:s21+$0xFA00] =	vst v8;
	v60 =	vadd.f32 v6, v1  }
0x5d: {  	s19 =	sadd.s32 $0x1, s19;
	[tilespmem:s21+$0xC810] =	vst v7;
	v4 =	vadd.f32 v4, v0  }
0x5e: {  	p0 =	sne.s32 s19, $0x20;
	[tilespmem:s21+$0xFA10] =	vst v60;
	v61 =	vadd.f32 v5, v0  }
.Ltmp2:
0x5f: {  	s20 =	sadd.s32 s3, s20;
	[tilespmem:s21+$0xC820] =	vst v4;
	v62 =	vadd.f32 v3, v2;
	(pc) =	sbr.rel @p0 .LBB2_2-.Ltmp2, $4  }
0x60: {  	s20 =	sshll.u32 s20, $0x3;
	[tilespmem:s21+$0xFA20] =	vst v61;
	v63 =	vadd.f32 v59, v2  }
0x61: {  	s20 =	sand.u32 $0x1FFFFF80, s20;
	[tilespmem:s21+$0xC830] =	vst v62  }
0x62: {  	s20 =	sadd.s32 s2, s20;
	[tilespmem:s21+$0xFA30] =	vst v63  }
0x63: {  	[hbm4b:s20+s4] =	stream.linear.scatter [tilespmem:s14], [sflag:$0x4], $0x6400, $0x38;
	[tilespmem:$0x15E00] =	vst v63  }
0x64: {  	s18 =	sadd.s32 $0x1, s18  }
0x65: {  	p0 =	sne.s32 s18, s8  }
.Ltmp3:
0x66: {  	_ = 	snop;
	(pc) =	sbr.rel @p0 .LBB2_1-.Ltmp3, $4  }
0x67: {  	_ = 	snop  }
0x68: {  	_ =	swait.ge [sflag:s17], $0x6400  }
0x69: {  	[sflag:s17] =	ssyncset.done $0x0  }
0x6a: {  	[sflag:s17] =	ssyncadd.s32 $0xFFFF9C00  }
0x6b: {  	_ =	sfence.sel $0x180000  }
0x6c: {  	[bflag:$0x0] =	sbarrier.arrive $0xFFFF  }
0x6d: {  	p0 =	sne.s32 s0, $0x0;
	_ =	strace $0x90000047  }
0x6e: {  	s0 =	sadd.s32 @!p0 $0x100000, s1;
	[bflag:$0x2] =	sbarrier.arrive $0xFFFF  }
0x6f: {  	[sflag:s0] =	ssyncadd.tile.s32 @!p0 $0x1;
	_ =	shalt  }
.Lfunc_end2:
_tile_overlayer_lowered:
.L_overlay_start_2:
0x70: {  	(tag) =	ssettag $0x2  }
0x71: {  	s0 =	rddreg [dreg:$0x0];
	s2 =	stileid.u32  }
0x72: {  	s1 =	rddreg [dreg:$0x1];
	p0 =	sne.s32 s2, $0x0  }
0x73: {  	s3 =	rddreg [dreg:$0x2];
	[bflag:$0x3] =	sbarrier.arrive $0xFFFF;
	s2 =	simm.s32 @!p0 $0x1C05  }
0x74: {  	[timem:s3], [sflag:s2] =	dma.local @!p0 [hbm:s0], s1  }
0x75: {  	s0 =	simm.s32 @!p0 $0x5  }
0x76: {  	_ =	swait.ge @!p0 [sflag:s0], s1  }
0x77: {  	s1 =	ssub.s32 @!p0 $0x0, s1;
	[sflag:s0] =	ssyncset.done @!p0 $0x0  }
0x78: {  	[sflag:s0] =	ssyncadd.s32 @!p0 s1  }
0x79: {  	[bflag:$0x3] =	sbarrier.arrive $0xFFFF  }
0x7a: {  	_ =	shalt  }

// kernel: sparse-core-data-format-call.cloned.1.call-start
scs
called_computation_lowered:
.L_overlay_start_0:
0x0: {  	s2 =	sld [smem:$0x3FD9]  }
0x1: {  	s3 =	sld [smem:$0x3FFE];
	_ =	sdelay $0x1  }
0x2: {  	s1 =	srdreg.scid  }
0x3: {  	s0 =	sand.u32 $0x1, s1  }
0x4: {  	s18 =	sshll.u32 s0, $0xA;
	s2 =	sadd.s32 s3, s2  }
0x5: {  	s2 =	sadd.s32 s2, s18  }
0x6: {  	[smem:$0x3FC6] =	sst s2  }
0x7: {  	_ = 	snop  }
0x8: {  	s2 =	sld [smem:$0x3FD0];
	(tm) =	ssettm $0x1  }
0x9: {  	s19 =	sld [smem:$0x3FFB];
	_ =	sdelay $0x3  }
0xa: {  	_ =	strace s19  }
0xb: {  	s3 =	sld [smem:$0x3FFC];
	_ =	sdelay $0x3  }
0xc: {  	_ =	strace s3  }
0xd: {  	s3 =	sld [smem:$0x3FFD];
	_ =	sdelay $0x3  }
0xe: {  	_ =	strace s3  }
0xf: {  	_ =	strace $0x8FFFFFFF  }
0x10: {  	s20 =	sld [smem:$0x3FDB];
	_ =	sdelay $0x1  }
0x11: {  	s4 =	simm.s32 $_scs_section_size  }
0x12: {  	s5 =	simm.s32 $_size__tile_overlayer_lowered;
	s6 =	simm.s32 $_tile_overlayer_lowered  }
0x13: {  	s23 =	simm.s32 $0x1BFF;
	s22 =	sshll.u32 s6, $0x1;
	s3 =	sadd.s32 s4, s20  }
0x14: {  	s7 =	simm.s32 $0x0;
	s21 =	sshll.u32 s5, $0x1;
	s5 =	sadd.s32 s22, s3  }
0x15: {  	[timem:s7], [sflag:s23] =	dma.local [hbm:s5], s21  }
0x16: {  	_ =	swait.ge [sflag:s23], s21  }
0x17: {  	s4 =	ssub.s32 $0x0, s21;
	[sflag:s23] =	ssyncset.done $0x0  }
0x18: {  	[sflag:s23] =	ssyncadd.s32 s4;
	_ =	sdelay $0x1  }
0x19: {  	s24 =	simm.s32 $0x1B8B  }
0x1a: {  	_ =	swait.ge [sflag:s24], $0x1  }
0x1b: {  	[sflag:s24] =	ssyncset.done $0x0  }
0x1c: {  	s26 =	simm.s32 $0x1B8E;
	s25 =	sld [smem:$0x3FFE];
	[sflag:s24] =	ssyncadd.s32 $0xFFFFFFFF  }
0x1d: {  	s27 =	simm.s32 $execute0_lowered;
	[smem:$0x3FD2] =	sst s26  }
0x1e: {  	s5 =	sshll.u32 s27, $0x1;
	_ =	strace $0x80000049;
	[dreg:$0x1] =	wrdreg $0xFFFFFFFF  }
0x1f: {  	s28 =	simm.s32 $_size_execute0_lowered;
	s3 =	sadd.s32 s3, s5;
	[dreg:$0x0] =	wrdreg $0x0  }
0x20: {  	s5 =	sshll.u32 s28, $0x1;
	[dreg:$0x2] =	wrdreg s3  }
0x21: {  	[dreg:$0x3] =	wrdreg s5  }
0x22: {  	[dreg:$0x4] =	wrdreg $0xC0  }
0x23: {  	_ =	task [dreg:s7], $0x5FFFF  }
0x24: {  	[dreg:$0x1] =	wrdreg $0xFFFFFFFF  }
0x25: {  	[dreg:$0x0] =	wrdreg $0x60  }
0x26: {  	[dreg:$0x2] =	wrdreg s25  }
0x27: {  	[dreg:$0x3] =	wrdreg s2  }
0x28: {  	[dreg:$0x4] =	wrdreg $0x9  }
0x29: {  	_ =	task.clear_ibuf [dreg:s7], $0x5FFFF;
	_ =	strace $0x90000049  }
0x2a: {  	s29 =	simm.s32 $0x9;
	_ =	strace $0x8000004B  }
0x2b: {  	_ =	swait.ge [sflag:s29], $0x1  }
0x2c: {  	[sflag:s29] =	ssyncadd.s32 $0xFFFFFFFF  }
0x2d: {  	_ =	strace $0x9000004B  }
0x2e: {  	_ =	sfence  }
0x2f: {  	s30 =	sld [smem:$0x0];
	_ =	sdelay $0x2  }
0x30: {  	s31 =	sshll.u32 s1, $0xD;
	s1 =	sshrl.u32 s1, $0x2  }
0x31: {  	s3 =	sand.u32 $0x4000, s31;
	s1 =	sadd.s32 s1, s30  }
0x32: {  	s0 =	sor.u32 s3, s0;
	s1 =	sshll.u32 s1, $0x11  }
0x33: {  	s0 =	sor.u32 s1, s0  }
0x34: {  	s0 =	sadd.s32 $0x8F2B, s0  }
0x35: {  	[sflag:s0] =	ssyncadd.remote.s32 $0x1  }
0x36: {  	_ =	sfence.sel $0xFFFF  }
0x37: {  	[dreg:$0x0] =	wrdreg $0xFFFFFFFF;
	(pc) =	sbr.abs _section_cstart, $3  }
0x38: {  	[dreg:$0x1] =	wrdreg $0xFFFFFFFF  }
0x39: {  	_ =	task.clear_ibuf [dreg:s7], $0x2FFFF;
	_ =	strace $0x9FFFFFFF  }
0x3a: {  	(tm) =	ssettm $0x7FFFFFFF  }
0x3b: {  	_ =	shalt  }
tec
execute0_lowered:
.L_overlay_start_1:
0x0: {  	(tag) =	ssettag $0x1  }
0x1: {  	s0 =	srdreg.scid  }
0x2: {  	s1 =	sshll.u32 s0, $0x4  }
0x3: {  	s0 =	stileid.u32;
	s1 =	sand.u32 $0x10, s1  }
0x4: {  	s1 =	sor.u32 s0, s1  }
0x5: {  	s6 =	rddreg [dreg:$0x0];
	s4 =	simm.s32 $0x1;
	s2 =	sshll.u32 s1, $0x7  }
0x6: {  	s7 =	simm.s32 $0x2;
	s12 =	simm.s32 $0x0;
	s1 =	ssub.s32 $0x1000, s2  }
0x7: {  	s8 =	simm.s32 $0x8000;
	s13 =	simm.s32 $0x0;
	s3 =	sand.u32 $0xF80, s1  }
0x8: {  	s9 =	simm.s32 $0x0;
	s5 =	sshrl.u32 s1, $0xC;
	p0 =	sne.s32 s3, $0x0  }
.Ltmp0:
0x9: {  	s1 =	rddreg [dreg:$0x2];
	s4 =	simm.s32 @!p0 $0x0;
	(pc) =	sbr.rel .LBB1_1-.Ltmp0, $4  }
0xa: {  	s11 =	simm.s32 $0x0;
	s3 =	rddreg [dreg:$0x1];
	s5 =	sadd.s32 s4, s5  }
0xb: {  	_ =	strace $0x8000004A;
	s4 =	simm.s32 $0x1;
	s5 =	smul.u32 $0xC8, s5  }
0xc: {  	s6 =	sadd.s32 $0xC00, s6;
	s10 =	smov.u32 s2;
	[sflag:s4] =	ssyncpa.u1 $0x0  }
0xd: {  	p0 =	por $0x0, $0x0;
	[sflag:s7] =	ssyncpa.u1 $0x0;
	s7 =	sor.u32 $0x1, s5  }
.LBB1_4:
0xe: {  	s16 =	sshll.u32 s13, $0x3;
	s17 =	sand.u32 $0x78, s13  }
0xf: {  	s30 =	sand.u32 $0x7E00, s13;
	s12 =	sshll.u32 s12, $0xF;
	s16 =	sand.u32 $0xC00, s16  }
0x10: {  	[tilespmem:s15+$0x810 ss:$0x81] =	vst.msk $0xffff, v2;
	s31 =	sand.u32 $0x7, s13;
	s16 =	sor.u32 s17, s16;
	s17 =	sadd.s32 s3, s30  }
0x11: {  	[tilespmem:s15+$0x1020 ss:$0x81] =	vst.msk $0xffff, v0;
	s13 =	sshll.u32 s31, $0x12;
	s12 =	sadd.s32 s12, s17;
	s16 =	sshrl.u32 s16, $0x3  }
0x12: {  	[tilespmem:s15+$0x0 ss:$0x81] =	vst.msk $0xffff, v1;
	s13 =	sor.u32 $0x400, s13;
	s12 =	sadd.s32 s16, s12  }
0x13: {  	[hbm4b:s12+s13] =	stream.strided.scatter [tilespmem:s14], [sflag:$0x2], $0x2000, s8, s13, $0x20;
	[tilespmem:$0x8080] =	vst v63  }
.LBB1_5:
0x14: {  	s14 =	sadd.s32 $0x1, s9  }
0x15: {  	s12 =	sadd.s32 $0x1000, s10;
	s16 =	smov.u32 s10;
	p2 =	sgt.s32 s14, $0xC7  }
0x16: {  	s16 =	smov.u32 @p2 s12  }
0x17: {  	s14 =	simm.s32 @p2 $0x0;
	p2 =	sgt.s32 s16, $0xFFF  }
0x18: {  	s16 =	smov.u32 @p2 s2;
	p2 =	sne.s32 s11, s7  }
.Ltmp1:
0x19: {  	p1 =	slt.u32 s11, $0x2;
	(pc) =	sbr.rel @!p2 .LBB1_6-.Ltmp1, $4  }
0x1a: {  	s15 =	simm.s32 @!p1 $0x2  }
0x1b: {  	s13 =	smov.u32 s10;
	p0 =	por !p0, !p0;
	_ =	swait.ge @!p1 [sflag:s15], $0x2000  }
0x1c: {  	s12 =	smov.u32 s9;
	[sflag:s15] =	ssyncset.done @!p1 $0x0;
	s9 =	smov.u32 s14  }
0x1d: {  	s11 =	sadd.s32 $0x1, s11;
	[sflag:s15] =	ssyncadd.s32 @!p1 $0xFFFFE000;
	s10 =	smov.u32 s16  }
.LBB1_1:
0x1e: {  	p1 =	sge.u32 s11, s5  }
0x1f: {  	s14 =	sand.u32 @!p1 $0x1FFFFFF, s9  }
0x20: {  	s15 =	smulhi.u32 @!p1 $0x147AE15, s14;
	_ =	sdelay $0x1  }
0x21: {  	s15 =	smul.u32 @!p1 $0xC8, s15  }
0x22: {  	s16 =	sxor.u32 @!p1 $0xFFFFFFFF, s11;
	s17 =	smul.u32 @!p1 $0xC80, s10  }
0x23: {  	s31 =	sadd.s32 $0xFFFFFFFF, s11;
	s16 =	sshll.u32 @!p1 s16, $0xD;
	s14 =	ssub.s32 @!p1 s14, s15  }
0x24: {  	s15 =	sand.u32 @!p1 $0x2000, s16;
	s16 =	sadd.s32 @!p1 s6, s17;
	s14 =	sshll.u32 @!p1 s14, $0x4  }
0x25: {  	s17 =	simm.s32 @!p1 $0x6400;
	s14 =	sadd.s32 @!p1 s14, s16;
	s16 =	simm.s32 @!p1 $0x40  }
0x26: {  	[tilespmem:s15], [sflag:$0x1] =	stream.strided.gather @!p1 [hbm4b:s14+s16], $0x2000, s17, s16, $0x38;
	[tilespmem:$0x8080] =	vst v63  }
0x27: {  	p1 =	sge.u32 s31, s5  }
.Ltmp2:
0x28: {  	_ = 	snop;
	(pc) =	sbr.rel @p1 .LBB1_5-.Ltmp2, $1  }
0x29: {  	_ =	sdelay $0x3  }
0x2a: {  	s14 =	simm.s32 $0x1  }
0x2b: {  	_ =	swait.ge [sflag:s4], $0x2000;
	s14 =	simm.s32 @!p0 $0x0  }
0x2c: {  	[sflag:s4] =	ssyncset.done $0x0;
	s15 =	sshll.u32 s14, $0xD  }
0x2d: {  	[sflag:s4] =	ssyncadd.s32 $0xFFFFE000;
	s18 =	sor.u32 $0x20, s15  }
0x2e: {  	s14 =	smul.u32 $0x8100, s14;
	v3 =	vld [tilespmem:s18+$0x10]  }
0x2f: {  	s30 =	sand.u32 $0x1, s11;
	v2 =	vld [tilespmem:s18+$0xFFFFFFF0]  }
0x30: {  	s15 =	smul.u32 $0x8100, s30;
	s14 =	sshrl.u32 s14, $0x2;
	v0 =	vld [tilespmem:s18+$0x0]  }
0x31: {  	v1 =	vld [tilespmem:s18+$0xFFFFFFE0];
	s16 =	sor.u32 $0x4000, s14  }
0x32: {  	s31 =	sshrl.u32 s15, $0x2;
	s15 =	sadd.s32 $0x0, s16  }
0x33: {  	s17 =	simm.s32 $0x4;
	s18 =	sadd.s32 $0x40, s18;
	s14 =	sor.u32 $0x4000, s31;
	[tilespmem:s15+$0x1830 ss:$0x81] =	vst.msk $0xffff, v3  }
.LBB1_3:
0x34: {  	v3 =	vld [tilespmem:s18+$0x10];
	p1 =	sne.s32 s17, $0x1FC;
	[tilespmem:s15+$0x810 ss:$0x81] =	vst.msk $0xffff, v2;
	s19 =	smov.u32 s17;
	s17 =	sadd.s32 $0x4, s17  }
.Ltmp3:
0x35: {  	v2 =	vld [tilespmem:s18+$0xFFFFFFF0];
	[tilespmem:s15+$0x1020 ss:$0x81] =	vst.msk $0xffff, v0;
	(pc) =	sbr.rel @p1 .LBB1_3-.Ltmp3, $4  }
0x36: {  	v0 =	vld [tilespmem:s18+$0x0];
	[tilespmem:s15+$0x0 ss:$0x81] =	vst.msk $0xffff, v1  }
0x37: {  	s15 =	sshra.s32 s19, $0x2;
	v1 =	vld [tilespmem:s18+$0xFFFFFFE0]  }
0x38: {  	s15 =	sadd.s32 s15, s16  }
0x39: {  	s18 =	sadd.s32 $0x40, s18;
	[tilespmem:s15+$0x1830 ss:$0x81] =	vst.msk $0xffff, v3  }
.Ltmp4:
0x3a: {  	_ = 	snop;
	(pc) =	sbr.rel .LBB1_4-.Ltmp4, $1  }
0x3b: {  	_ =	sdelay $0x3  }
.LBB1_6:
0x3c: {  	_ =	sfence.sel $0x180000  }
0x3d: {  	s2 =	simm.s32 $0x1;
	[bflag:$0x0] =	sbarrier.arrive $0xFFFF  }
0x3e: {  	s31 =	simm.s32 $0x2;
	[sflag:s2] =	ssyncpa.u1 $0x1  }
0x3f: {  	[sflag:s31] =	ssyncpa.u1 $0x1  }
0x40: {  	p0 =	sne.s32 s0, $0x0;
	_ =	strace $0x9000004A  }
0x41: {  	s0 =	sadd.s32 @!p0 $0x100000, s1;
	[bflag:$0x2] =	sbarrier.arrive $0xFFFF  }
0x42: {  	[sflag:s0] =	ssyncadd.tile.s32 @!p0 $0x1;
	_ =	shalt  }
.Lfunc_end1:
_tile_overlayer_lowered:
.L_overlay_start_2:
0x43: {  	(tag) =	ssettag $0x2  }
0x44: {  	s0 =	rddreg [dreg:$0x0];
	s2 =	stileid.u32  }
0x45: {  	s1 =	rddreg [dreg:$0x1];
	p0 =	sne.s32 s2, $0x0  }
0x46: {  	s3 =	rddreg [dreg:$0x2];
	[bflag:$0x3] =	sbarrier.arrive $0xFFFF;
	s2 =	simm.s32 @!p0 $0x1C01  }
0x47: {  	[timem:s3], [sflag:s2] =	dma.local @!p0 [hbm:s0], s1  }
0x48: {  	s0 =	simm.s32 @!p0 $0x1  }
0x49: {  	_ =	swait.ge @!p0 [sflag:s0], s1  }
0x4a: {  	s1 =	ssub.s32 @!p0 $0x0, s1;
	[sflag:s0] =	ssyncset.done @!p0 $0x0  }
0x4b: {  	[sflag:s0] =	ssyncadd.s32 @!p0 s1  }
0x4c: {  	[bflag:$0x3] =	sbarrier.arrive $0xFFFF  }
0x4d: {  	_ =	shalt  }

</sc_bundles>
